<compile_context>
chip_gen: v7x
topology: tpu7x:2x2x1
jax: 0.10.2.dev20260603
libtpu: 0.0.44.dev20260713+nightly
codegen_flags: <defaults>
</compile_context>

<pallas_src>
import functools

import jax
import jax.numpy as jnp
from jax import lax
from jax.experimental import pallas as pl
from jax.experimental.pallas import tpu as pltpu
from jax.experimental.pallas import tpu_sc as plsc

EPS = 1e-12


def _ln_table_kernel(t_ref, g_ref, b_ref, o_ref):
    t = t_ref[...]
    m = jnp.mean(t, axis=1, keepdims=True)
    c = t - m
    v = jnp.mean(c * c, axis=1, keepdims=True)
    o_ref[...] = c * lax.rsqrt(v + EPS) * g_ref[...] + b_ref[...]


def _normalize_table(table, gamma, beta):
    V, D = table.shape
    return pl.pallas_call(
        _ln_table_kernel,
        out_shape=jax.ShapeDtypeStruct((V, D), jnp.float32),
    )(table, gamma.reshape(1, D), beta.reshape(1, D))


@functools.lru_cache(maxsize=None)
def _make_gather(V, D, N):
    info = plsc.get_sparse_core_info()
    NC, NS = info.num_cores, info.num_subcores
    NW = NC * NS
    CHUNK = 128
    assert N % (NW * CHUNK) == 0
    n_chunks = N // (NW * CHUNK)
    NBUF = 6
    GA = NBUF - 1

    mesh = plsc.VectorSubcoreMesh(core_axis_name="c", subcore_axis_name="s")

    @functools.partial(
        pl.kernel,
        mesh=mesh,
        out_type=jax.ShapeDtypeStruct((N, D), jnp.float32),
        scratch_types=[
            pltpu.VMEM((n_chunks, CHUNK), jnp.int32),
            pltpu.VMEM((NBUF, CHUNK, D), jnp.float32),
            pltpu.SemaphoreType.DMA,
            pltpu.SemaphoreType.DMA,
        ],
    )
    def gather(idx_hbm, tab_hbm, out_hbm, idx_v, rows_v, gsem, ssem):
        wid = lax.axis_index("s") * NC + lax.axis_index("c")
        base = wid * (n_chunks * CHUNK)
        pltpu.sync_copy(idx_hbm.at[wid], idx_v)

        def fire(j, buf):
            return pltpu.async_copy(tab_hbm.at[idx_v.at[j]], rows_v.at[buf], gsem)

        def drain_one_scatter():
            pltpu.make_async_copy(
                rows_v.at[0],
                out_hbm.at[pl.ds(base, CHUNK)],
                ssem,
            ).wait()

        for j0 in range(GA):
            fire(j0, j0)

        def body(j, _):
            buf = lax.rem(j, NBUF)

            @pl.when(j + GA < n_chunks)
            def _():
                @pl.when(j >= 1)
                def _():
                    drain_one_scatter()

                fire(j + GA, lax.rem(j + GA, NBUF))

            pltpu.make_async_copy(
                tab_hbm.at[idx_v.at[j]], rows_v.at[buf], gsem
            ).wait()
            pltpu.async_copy(
                rows_v.at[buf],
                out_hbm.at[pl.ds(base + j * CHUNK, CHUNK)],
                ssem,
            )
            return 0

        lax.fori_loop(0, n_chunks, body, 0)
        for _ in range(NBUF):
            drain_one_scatter()

    return gather


def kernel(input_ids, table, gamma, beta):
    B, L = input_ids.shape
    V, D = table.shape
    N = B * L
    normed = _normalize_table(table, gamma, beta)
    info = plsc.get_sparse_core_info()
    NW = info.num_cores * info.num_subcores
    idx = input_ids.reshape(NW, N // (NW * 128), 128).astype(jnp.int32)
    out = _make_gather(V, D, N)(idx, normed)
    return out.reshape(B, L, D)

# --- scband reference (transcript-rebuilt; emitter-appended) ---
"""Pipeline reference for scband-codon-embedding-18562848653752 (READ-ONLY COPY).

The authoritative reference and input builder live on the scoring server;
editing this copy changes nothing except your own understanding.
"""

import jax, jax.numpy as jnp
import numpy as np

VOCAB = 1000
HIDDEN = 128
B = 4096
L = 200
EPS = 1e-12


def setup_inputs(seed: int = 0) -> dict:
    key = jax.random.key(seed)
    k1, k2 = jax.random.split(key)
    input_ids = jax.random.randint(k1, (B, L), 0, VOCAB)
    table = jax.random.normal(k2, (VOCAB, HIDDEN), dtype=jnp.float32)
    # padding_idx=0: torch zero-initializes that row
    table = table.at[0].set(0.0)
    gamma = jnp.ones((HIDDEN,), dtype=jnp.float32)
    beta = jnp.zeros((HIDDEN,), dtype=jnp.float32)
    return {"input_ids": input_ids, "table": table, "gamma": gamma, "beta": beta}


def reference(input_ids, table, gamma, beta):
    # Embedding lookup (gather)
    emb = jnp.take(table, input_ids, axis=0)
    # Post-embedding LayerNorm (apply_post_emb_ln=True)
    mean = jnp.mean(emb, axis=-1, keepdims=True)
    var = jnp.mean((emb - mean) ** 2, axis=-1, keepdims=True)
    normed = (emb - mean) / jnp.sqrt(var + EPS)
    out = normed * gamma + beta
    # Dropout is identity in eval mode
    return out

if __name__ == "__main__":
    import jax
    _d = setup_inputs()
    print(jax.jit(kernel)(*tuple(_d.values())))

</pallas_src>

<mosaic_0001>
#map = affine_map<(d0, d1) -> (0, 0, 0)>
#map1 = affine_map<(d0, d1) -> (0, 0)>
module attributes {stable_mosaic.version = 14 : i64} {
  func.func @gather(%arg0: i32, %arg1: i32, %arg2: memref<32x200x128xi32, #tpu.memory_space<hbm>>, %arg3: memref<1000x128xf32, #tpu.memory_space<hbm>>, %arg4: memref<819200x128xf32, #tpu.memory_space<hbm>>, %arg5: memref<200x128xi32, #tpu.memory_space<vmem>>, %arg6: memref<6x128x128xf32, #tpu.memory_space<vmem>>, %arg7: memref<!tpu.dma_semaphore, #tpu.memory_space<semaphore_mem>>, %arg8: memref<!tpu.dma_semaphore, #tpu.memory_space<semaphore_mem>>) attributes {dimension_semantics = [#tpu.dimension_semantics<core_parallel>, #tpu.dimension_semantics<subcore_parallel>], iteration_bounds = array<i64: 2, 16>, scalar_prefetch = 0 : i64, scratch_operands = 4 : i64, tpu.core_type = #tpu.core_type<sc_vector_subcore>, window_params = [{transform_indices = #map}, {transform_indices = #map1}, {transform_indices = #map1}]} {
    %mul3A = arith.constant 2 : i32
    %mul3A_0 = arith.muli %arg1, %mul3A : i32
    %add3A = arith.addi %mul3A_0, %arg0 : i32
    %mul3A_1 = arith.constant 25600 : i32
    %mul3A_2 = arith.muli %add3A, %mul3A_1 : i32
    "tpu.region"() ({
      %run_scoped3A = tpu.sem_alloc : memref<!tpu.dma_semaphore, #tpu.memory_space<semaphore_mem>>
      %dma_start3A_145 = arith.constant 0 : i32
      %dma_start3A_146 = arith.constant 0 : i32
      %dma_start3A_147 = tpu.memref_slice %arg2[%add3A, %dma_start3A_145, %dma_start3A_146] : memref<32x200x128xi32, #tpu.memory_space<hbm>> -> memref<1x200x128xi32, #tpu.memory_space<hbm>>
      %dma_start3A_148 = tpu.memref_squeeze %dma_start3A_147 : memref<1x200x128xi32, #tpu.memory_space<hbm>> -> memref<200x128xi32, #tpu.memory_space<hbm>>
      %dma_start3A_149 = arith.constant 0 : i32
      %dma_start3A_150 = arith.constant 0 : i32
      %dma_start3A_151 = tpu.memref_slice %arg2[%add3A, %dma_start3A_149, %dma_start3A_150] : memref<32x200x128xi32, #tpu.memory_space<hbm>> -> memref<1x200x128xi32, #tpu.memory_space<hbm>>
      %dma_start3A_152 = tpu.memref_squeeze %dma_start3A_151 : memref<1x200x128xi32, #tpu.memory_space<hbm>> -> memref<200x128xi32, #tpu.memory_space<hbm>>
      tpu.enqueue_dma source(%dma_start3A_152 : memref<200x128xi32, #tpu.memory_space<hbm>>) target(%arg5 : memref<200x128xi32, #tpu.memory_space<vmem>>) target_semaphore(%run_scoped3A : memref<!tpu.dma_semaphore, #tpu.memory_space<semaphore_mem>>)
      %dma_wait3A_153 = arith.constant 0 : i32
      %dma_wait3A_154 = arith.constant 0 : i32
      %dma_wait3A_155 = tpu.memref_slice %arg2[%add3A, %dma_wait3A_153, %dma_wait3A_154] : memref<32x200x128xi32, #tpu.memory_space<hbm>> -> memref<1x200x128xi32, #tpu.memory_space<hbm>>
      %dma_wait3A_156 = tpu.memref_squeeze %dma_wait3A_155 : memref<1x200x128xi32, #tpu.memory_space<hbm>> -> memref<200x128xi32, #tpu.memory_space<hbm>>
      %dma_wait3A_157 = arith.constant 0 : i32
      %dma_wait3A_158 = arith.constant 0 : i32
      %dma_wait3A_159 = tpu.memref_slice %arg2[%add3A, %dma_wait3A_157, %dma_wait3A_158] : memref<32x200x128xi32, #tpu.memory_space<hbm>> -> memref<1x200x128xi32, #tpu.memory_space<hbm>>
      %dma_wait3A_160 = tpu.memref_squeeze %dma_wait3A_159 : memref<1x200x128xi32, #tpu.memory_space<hbm>> -> memref<200x128xi32, #tpu.memory_space<hbm>>
      tpu.wait_dma2 semaphore(%run_scoped3A : memref<!tpu.dma_semaphore, #tpu.memory_space<semaphore_mem>>) src(%dma_wait3A_160 : memref<200x128xi32, #tpu.memory_space<hbm>>) dst(%arg5 : memref<200x128xi32, #tpu.memory_space<vmem>>)
      tpu.yield
    }) : () -> ()
    %dma_start3A = arith.constant 0 : i32
    %dma_start3A_3 = arith.constant 0 : i32
    %dma_start3A_4 = arith.constant 0 : i32
    %dma_start3A_5 = arith.constant 0 : i32
    %dma_start3A_6 = tpu.memref_slice %arg6[%dma_start3A_3, %dma_start3A_4, %dma_start3A_5] : memref<6x128x128xf32, #tpu.memory_space<vmem>> -> memref<1x128x128xf32, #tpu.memory_space<vmem>>
    %dma_start3A_7 = tpu.memref_squeeze %dma_start3A_6 : memref<1x128x128xf32, #tpu.memory_space<vmem>> -> memref<128x128xf32, #tpu.memory_space<vmem>>
    %dma_start3A_8 = arith.constant 0 : i32
    %dma_start3A_9 = tpu.memref_slice %arg5[%dma_start3A, %dma_start3A_8] : memref<200x128xi32, #tpu.memory_space<vmem>> -> memref<1x128xi32, #tpu.memory_space<vmem>>
    %dma_start3A_10 = tpu.memref_squeeze %dma_start3A_9 : memref<1x128xi32, #tpu.memory_space<vmem>> -> memref<128xi32, #tpu.memory_space<vmem>>
    %dma_start3A_11 = arith.constant 0 : i32
    %dma_start3A_12 = arith.constant 0 : i32
    %dma_start3A_13 = tpu.memref_slice %arg3[%dma_start3A_11, %dma_start3A_12] : memref<1000x128xf32, #tpu.memory_space<hbm>> -> memref<1000x128xf32, #tpu.memory_space<hbm>>
    tpu.enqueue_indirect_dma source(%dma_start3A_13 : memref<1000x128xf32, #tpu.memory_space<hbm>>) target(%dma_start3A_7 : memref<128x128xf32, #tpu.memory_space<vmem>>) offsets(%dma_start3A_10 : memref<128xi32, #tpu.memory_space<vmem>>) semaphore(%arg7 : memref<!tpu.dma_semaphore, #tpu.memory_space<semaphore_mem>>)
    %dma_start3A_14 = arith.constant 1 : i32
    %dma_start3A_15 = arith.constant 1 : i32
    %dma_start3A_16 = arith.constant 0 : i32
    %dma_start3A_17 = arith.constant 0 : i32
    %dma_start3A_18 = tpu.memref_slice %arg6[%dma_start3A_15, %dma_start3A_16, %dma_start3A_17] : memref<6x128x128xf32, #tpu.memory_space<vmem>> -> memref<1x128x128xf32, #tpu.memory_space<vmem>>
    %dma_start3A_19 = tpu.memref_squeeze %dma_start3A_18 : memref<1x128x128xf32, #tpu.memory_space<vmem>> -> memref<128x128xf32, #tpu.memory_space<vmem>>
    %dma_start3A_20 = arith.constant 0 : i32
    %dma_start3A_21 = tpu.memref_slice %arg5[%dma_start3A_14, %dma_start3A_20] : memref<200x128xi32, #tpu.memory_space<vmem>> -> memref<1x128xi32, #tpu.memory_space<vmem>>
    %dma_start3A_22 = tpu.memref_squeeze %dma_start3A_21 : memref<1x128xi32, #tpu.memory_space<vmem>> -> memref<128xi32, #tpu.memory_space<vmem>>
    %dma_start3A_23 = arith.constant 0 : i32
    %dma_start3A_24 = arith.constant 0 : i32
    %dma_start3A_25 = tpu.memref_slice %arg3[%dma_start3A_23, %dma_start3A_24] : memref<1000x128xf32, #tpu.memory_space<hbm>> -> memref<1000x128xf32, #tpu.memory_space<hbm>>
    tpu.enqueue_indirect_dma source(%dma_start3A_25 : memref<1000x128xf32, #tpu.memory_space<hbm>>) target(%dma_start3A_19 : memref<128x128xf32, #tpu.memory_space<vmem>>) offsets(%dma_start3A_22 : memref<128xi32, #tpu.memory_space<vmem>>) semaphore(%arg7 : memref<!tpu.dma_semaphore, #tpu.memory_space<semaphore_mem>>)
    %dma_start3A_26 = arith.constant 2 : i32
    %dma_start3A_27 = arith.constant 2 : i32
    %dma_start3A_28 = arith.constant 0 : i32
    %dma_start3A_29 = arith.constant 0 : i32
    %dma_start3A_30 = tpu.memref_slice %arg6[%dma_start3A_27, %dma_start3A_28, %dma_start3A_29] : memref<6x128x128xf32, #tpu.memory_space<vmem>> -> memref<1x128x128xf32, #tpu.memory_space<vmem>>
    %dma_start3A_31 = tpu.memref_squeeze %dma_start3A_30 : memref<1x128x128xf32, #tpu.memory_space<vmem>> -> memref<128x128xf32, #tpu.memory_space<vmem>>
    %dma_start3A_32 = arith.constant 0 : i32
    %dma_start3A_33 = tpu.memref_slice %arg5[%dma_start3A_26, %dma_start3A_32] : memref<200x128xi32, #tpu.memory_space<vmem>> -> memref<1x128xi32, #tpu.memory_space<vmem>>
    %dma_start3A_34 = tpu.memref_squeeze %dma_start3A_33 : memref<1x128xi32, #tpu.memory_space<vmem>> -> memref<128xi32, #tpu.memory_space<vmem>>
    %dma_start3A_35 = arith.constant 0 : i32
    %dma_start3A_36 = arith.constant 0 : i32
    %dma_start3A_37 = tpu.memref_slice %arg3[%dma_start3A_35, %dma_start3A_36] : memref<1000x128xf32, #tpu.memory_space<hbm>> -> memref<1000x128xf32, #tpu.memory_space<hbm>>
    tpu.enqueue_indirect_dma source(%dma_start3A_37 : memref<1000x128xf32, #tpu.memory_space<hbm>>) target(%dma_start3A_31 : memref<128x128xf32, #tpu.memory_space<vmem>>) offsets(%dma_start3A_34 : memref<128xi32, #tpu.memory_space<vmem>>) semaphore(%arg7 : memref<!tpu.dma_semaphore, #tpu.memory_space<semaphore_mem>>)
    %dma_start3A_38 = arith.constant 3 : i32
    %dma_start3A_39 = arith.constant 3 : i32
    %dma_start3A_40 = arith.constant 0 : i32
    %dma_start3A_41 = arith.constant 0 : i32
    %dma_start3A_42 = tpu.memref_slice %arg6[%dma_start3A_39, %dma_start3A_40, %dma_start3A_41] : memref<6x128x128xf32, #tpu.memory_space<vmem>> -> memref<1x128x128xf32, #tpu.memory_space<vmem>>
    %dma_start3A_43 = tpu.memref_squeeze %dma_start3A_42 : memref<1x128x128xf32, #tpu.memory_space<vmem>> -> memref<128x128xf32, #tpu.memory_space<vmem>>
    %dma_start3A_44 = arith.constant 0 : i32
    %dma_start3A_45 = tpu.memref_slice %arg5[%dma_start3A_38, %dma_start3A_44] : memref<200x128xi32, #tpu.memory_space<vmem>> -> memref<1x128xi32, #tpu.memory_space<vmem>>
    %dma_start3A_46 = tpu.memref_squeeze %dma_start3A_45 : memref<1x128xi32, #tpu.memory_space<vmem>> -> memref<128xi32, #tpu.memory_space<vmem>>
    %dma_start3A_47 = arith.constant 0 : i32
    %dma_start3A_48 = arith.constant 0 : i32
    %dma_start3A_49 = tpu.memref_slice %arg3[%dma_start3A_47, %dma_start3A_48] : memref<1000x128xf32, #tpu.memory_space<hbm>> -> memref<1000x128xf32, #tpu.memory_space<hbm>>
    tpu.enqueue_indirect_dma source(%dma_start3A_49 : memref<1000x128xf32, #tpu.memory_space<hbm>>) target(%dma_start3A_43 : memref<128x128xf32, #tpu.memory_space<vmem>>) offsets(%dma_start3A_46 : memref<128xi32, #tpu.memory_space<vmem>>) semaphore(%arg7 : memref<!tpu.dma_semaphore, #tpu.memory_space<semaphore_mem>>)
    %dma_start3A_50 = arith.constant 4 : i32
    %dma_start3A_51 = arith.constant 4 : i32
    %dma_start3A_52 = arith.constant 0 : i32
    %dma_start3A_53 = arith.constant 0 : i32
    %dma_start3A_54 = tpu.memref_slice %arg6[%dma_start3A_51, %dma_start3A_52, %dma_start3A_53] : memref<6x128x128xf32, #tpu.memory_space<vmem>> -> memref<1x128x128xf32, #tpu.memory_space<vmem>>
    %dma_start3A_55 = tpu.memref_squeeze %dma_start3A_54 : memref<1x128x128xf32, #tpu.memory_space<vmem>> -> memref<128x128xf32, #tpu.memory_space<vmem>>
    %dma_start3A_56 = arith.constant 0 : i32
    %dma_start3A_57 = tpu.memref_slice %arg5[%dma_start3A_50, %dma_start3A_56] : memref<200x128xi32, #tpu.memory_space<vmem>> -> memref<1x128xi32, #tpu.memory_space<vmem>>
    %dma_start3A_58 = tpu.memref_squeeze %dma_start3A_57 : memref<1x128xi32, #tpu.memory_space<vmem>> -> memref<128xi32, #tpu.memory_space<vmem>>
    %dma_start3A_59 = arith.constant 0 : i32
    %dma_start3A_60 = arith.constant 0 : i32
    %dma_start3A_61 = tpu.memref_slice %arg3[%dma_start3A_59, %dma_start3A_60] : memref<1000x128xf32, #tpu.memory_space<hbm>> -> memref<1000x128xf32, #tpu.memory_space<hbm>>
    tpu.enqueue_indirect_dma source(%dma_start3A_61 : memref<1000x128xf32, #tpu.memory_space<hbm>>) target(%dma_start3A_55 : memref<128x128xf32, #tpu.memory_space<vmem>>) offsets(%dma_start3A_58 : memref<128xi32, #tpu.memory_space<vmem>>) semaphore(%arg7 : memref<!tpu.dma_semaphore, #tpu.memory_space<semaphore_mem>>)
    %scan3A = arith.constant 0 : i32
    %scan3A_62 = arith.constant 0 : i32
    %scan3A_63 = arith.constant 200 : i32
    %scan3A_64 = arith.addi %scan3A_62, %scan3A_63 : i32
    %scan3A_65 = arith.constant 1 : i32
    %scan3A_66 = scf.for %scan3A_145 = %scan3A_62 to %scan3A_64 step %scan3A_65 iter_args(%scan3A_146 = %scan3A) -> (i32)  : i32 {
      %rem3A = arith.constant 6 : i32
      %rem3A_147 = arith.remsi %scan3A_145, %rem3A : i32
      %add3A_148 = arith.constant 5 : i32
      %add3A_149 = arith.addi %scan3A_145, %add3A_148 : i32
      %lt3A = arith.constant 200 : i32
      %lt3A_150 = arith.cmpi slt, %add3A_149, %lt3A : i32
      %convert_element_type3A = arith.extui %lt3A_150 : i1 to i32
      %cond3A = arith.constant 0 : i32
      %cond3A_151 = arith.cmpi ne, %convert_element_type3A, %cond3A : i32
      scf.if %cond3A_151 {
        %ge3A = arith.constant 1 : i32
        %ge3A_178 = arith.cmpi sge, %scan3A_145, %ge3A : i32
        %convert_element_type3A_179 = arith.extui %ge3A_178 : i1 to i32
        %cond3A_180 = arith.constant 0 : i32
        %cond3A_181 = arith.cmpi ne, %convert_element_type3A_179, %cond3A_180 : i32
        scf.if %cond3A_181 {
          %dma_wait3A_198 = arith.constant 0 : i32
          %dma_wait3A_199 = arith.constant 0 : i32
          %dma_wait3A_200 = arith.constant 0 : i32
          %dma_wait3A_201 = tpu.memref_slice %arg6[%dma_wait3A_198, %dma_wait3A_199, %dma_wait3A_200] : memref<6x128x128xf32, #tpu.memory_space<vmem>> -> memref<1x128x128xf32, #tpu.memory_space<vmem>>
          %dma_wait3A_202 = tpu.memref_squeeze %dma_wait3A_201 : memref<1x128x128xf32, #tpu.memory_space<vmem>> -> memref<128x128xf32, #tpu.memory_space<vmem>>
          %dma_wait3A_203 = arith.constant 0 : i32
          %dma_wait3A_204 = tpu.memref_slice %arg4[%mul3A_2, %dma_wait3A_203] : memref<819200x128xf32, #tpu.memory_space<hbm>> -> memref<128x128xf32, #tpu.memory_space<hbm>>
          %dma_wait3A_205 = arith.constant 0 : i32
          %dma_wait3A_206 = tpu.memref_slice %arg4[%mul3A_2, %dma_wait3A_205] : memref<819200x128xf32, #tpu.memory_space<hbm>> -> memref<128x128xf32, #tpu.memory_space<hbm>>
          %dma_wait3A_207 = arith.constant 0 : i32
          %dma_wait3A_208 = arith.constant 0 : i32
          %dma_wait3A_209 = tpu.memref_slice %arg6[%dma_wait3A_198, %dma_wait3A_207, %dma_wait3A_208] : memref<6x128x128xf32, #tpu.memory_space<vmem>> -> memref<1x128x128xf32, #tpu.memory_space<vmem>>
          %dma_wait3A_210 = tpu.memref_squeeze %dma_wait3A_209 : memref<1x128x128xf32, #tpu.memory_space<vmem>> -> memref<128x128xf32, #tpu.memory_space<vmem>>
          tpu.wait_dma2 semaphore(%arg8 : memref<!tpu.dma_semaphore, #tpu.memory_space<semaphore_mem>>) src(%dma_wait3A_210 : memref<128x128xf32, #tpu.memory_space<vmem>>) dst(%dma_wait3A_206 : memref<128x128xf32, #tpu.memory_space<hbm>>)
        } else {
        }
        %add3A_182 = arith.constant 5 : i32
        %add3A_183 = arith.addi %scan3A_145, %add3A_182 : i32
        %add3A_184 = arith.constant 5 : i32
        %add3A_185 = arith.addi %scan3A_145, %add3A_184 : i32
        %rem3A_186 = arith.constant 6 : i32
        %rem3A_187 = arith.remsi %add3A_185, %rem3A_186 : i32
        %dma_start3A_188 = arith.constant 0 : i32
        %dma_start3A_189 = arith.constant 0 : i32
        %dma_start3A_190 = tpu.memref_slice %arg6[%rem3A_187, %dma_start3A_188, %dma_start3A_189] : memref<6x128x128xf32, #tpu.memory_space<vmem>> -> memref<1x128x128xf32, #tpu.memory_space<vmem>>
        %dma_start3A_191 = tpu.memref_squeeze %dma_start3A_190 : memref<1x128x128xf32, #tpu.memory_space<vmem>> -> memref<128x128xf32, #tpu.memory_space<vmem>>
        %dma_start3A_192 = arith.constant 0 : i32
        %dma_start3A_193 = tpu.memref_slice %arg5[%add3A_183, %dma_start3A_192] : memref<200x128xi32, #tpu.memory_space<vmem>> -> memref<1x128xi32, #tpu.memory_space<vmem>>
        %dma_start3A_194 = tpu.memref_squeeze %dma_start3A_193 : memref<1x128xi32, #tpu.memory_space<vmem>> -> memref<128xi32, #tpu.memory_space<vmem>>
        %dma_start3A_195 = arith.constant 0 : i32
        %dma_start3A_196 = arith.constant 0 : i32
        %dma_start3A_197 = tpu.memref_slice %arg3[%dma_start3A_195, %dma_start3A_196] : memref<1000x128xf32, #tpu.memory_space<hbm>> -> memref<1000x128xf32, #tpu.memory_space<hbm>>
        tpu.enqueue_indirect_dma source(%dma_start3A_197 : memref<1000x128xf32, #tpu.memory_space<hbm>>) target(%dma_start3A_191 : memref<128x128xf32, #tpu.memory_space<vmem>>) offsets(%dma_start3A_194 : memref<128xi32, #tpu.memory_space<vmem>>) semaphore(%arg7 : memref<!tpu.dma_semaphore, #tpu.memory_space<semaphore_mem>>)
      } else {
      }
      %dma_wait3A_152 = arith.constant 0 : i32
      %dma_wait3A_153 = arith.constant 0 : i32
      %dma_wait3A_154 = tpu.memref_slice %arg6[%rem3A_147, %dma_wait3A_152, %dma_wait3A_153] : memref<6x128x128xf32, #tpu.memory_space<vmem>> -> memref<1x128x128xf32, #tpu.memory_space<vmem>>
      %dma_wait3A_155 = tpu.memref_squeeze %dma_wait3A_154 : memref<1x128x128xf32, #tpu.memory_space<vmem>> -> memref<128x128xf32, #tpu.memory_space<vmem>>
      %dma_wait3A_156 = arith.constant 0 : i32
      %dma_wait3A_157 = tpu.memref_slice %arg5[%scan3A_145, %dma_wait3A_156] : memref<200x128xi32, #tpu.memory_space<vmem>> -> memref<1x128xi32, #tpu.memory_space<vmem>>
      %dma_wait3A_158 = tpu.memref_squeeze %dma_wait3A_157 : memref<1x128xi32, #tpu.memory_space<vmem>> -> memref<128xi32, #tpu.memory_space<vmem>>
      %dma_wait3A_159 = arith.constant 0 : i32
      %dma_wait3A_160 = arith.constant 0 : i32
      %dma_wait3A_161 = tpu.memref_slice %arg3[%dma_wait3A_159, %dma_wait3A_160] : memref<1000x128xf32, #tpu.memory_space<hbm>> -> memref<1000x128xf32, #tpu.memory_space<hbm>>
      tpu.wait_indirect_dma semaphore(%arg7 : memref<!tpu.dma_semaphore, #tpu.memory_space<semaphore_mem>>) src(%dma_wait3A_161 : memref<1000x128xf32, #tpu.memory_space<hbm>>) dst(%dma_wait3A_155 : memref<128x128xf32, #tpu.memory_space<vmem>>)
      %mul3A_162 = arith.constant 128 : i32
      %mul3A_163 = arith.muli %scan3A_145, %mul3A_162 : i32
      %add3A_164 = arith.addi %mul3A_2, %mul3A_163 : i32
      %dma_start3A_165 = arith.constant 0 : i32
      %dma_start3A_166 = arith.constant 0 : i32
      %dma_start3A_167 = tpu.memref_slice %arg6[%rem3A_147, %dma_start3A_165, %dma_start3A_166] : memref<6x128x128xf32, #tpu.memory_space<vmem>> -> memref<1x128x128xf32, #tpu.memory_space<vmem>>
      %dma_start3A_168 = tpu.memref_squeeze %dma_start3A_167 : memref<1x128x128xf32, #tpu.memory_space<vmem>> -> memref<128x128xf32, #tpu.memory_space<vmem>>
      %dma_start3A_169 = arith.constant 0 : i32
      %dma_start3A_170 = tpu.memref_slice %arg4[%add3A_164, %dma_start3A_169] : memref<819200x128xf32, #tpu.memory_space<hbm>> -> memref<128x128xf32, #tpu.memory_space<hbm>>
      %dma_start3A_171 = arith.constant 0 : i32
      %dma_start3A_172 = tpu.memref_slice %arg4[%add3A_164, %dma_start3A_171] : memref<819200x128xf32, #tpu.memory_space<hbm>> -> memref<128x128xf32, #tpu.memory_space<hbm>>
      %dma_start3A_173 = arith.constant 0 : i32
      %dma_start3A_174 = arith.constant 0 : i32
      %dma_start3A_175 = tpu.memref_slice %arg6[%rem3A_147, %dma_start3A_173, %dma_start3A_174] : memref<6x128x128xf32, #tpu.memory_space<vmem>> -> memref<1x128x128xf32, #tpu.memory_space<vmem>>
      %dma_start3A_176 = tpu.memref_squeeze %dma_start3A_175 : memref<1x128x128xf32, #tpu.memory_space<vmem>> -> memref<128x128xf32, #tpu.memory_space<vmem>>
      tpu.enqueue_dma source(%dma_start3A_176 : memref<128x128xf32, #tpu.memory_space<vmem>>) target(%dma_start3A_172 : memref<128x128xf32, #tpu.memory_space<hbm>>) target_semaphore(%arg8 : memref<!tpu.dma_semaphore, #tpu.memory_space<semaphore_mem>>)
      %scan3A_177 = arith.constant 0 : i32
      scf.yield %scan3A_177 : i32
    }
    %scan3A_67 = arith.constant 200 : i32
    %dma_wait3A = arith.constant 0 : i32
    %dma_wait3A_68 = arith.constant 0 : i32
    %dma_wait3A_69 = arith.constant 0 : i32
    %dma_wait3A_70 = tpu.memref_slice %arg6[%dma_wait3A, %dma_wait3A_68, %dma_wait3A_69] : memref<6x128x128xf32, #tpu.memory_space<vmem>> -> memref<1x128x128xf32, #tpu.memory_space<vmem>>
    %dma_wait3A_71 = tpu.memref_squeeze %dma_wait3A_70 : memref<1x128x128xf32, #tpu.memory_space<vmem>> -> memref<128x128xf32, #tpu.memory_space<vmem>>
    %dma_wait3A_72 = arith.constant 0 : i32
    %dma_wait3A_73 = tpu.memref_slice %arg4[%mul3A_2, %dma_wait3A_72] : memref<819200x128xf32, #tpu.memory_space<hbm>> -> memref<128x128xf32, #tpu.memory_space<hbm>>
    %dma_wait3A_74 = arith.constant 0 : i32
    %dma_wait3A_75 = tpu.memref_slice %arg4[%mul3A_2, %dma_wait3A_74] : memref<819200x128xf32, #tpu.memory_space<hbm>> -> memref<128x128xf32, #tpu.memory_space<hbm>>
    %dma_wait3A_76 = arith.constant 0 : i32
    %dma_wait3A_77 = arith.constant 0 : i32
    %dma_wait3A_78 = tpu.memref_slice %arg6[%dma_wait3A, %dma_wait3A_76, %dma_wait3A_77] : memref<6x128x128xf32, #tpu.memory_space<vmem>> -> memref<1x128x128xf32, #tpu.memory_space<vmem>>
    %dma_wait3A_79 = tpu.memref_squeeze %dma_wait3A_78 : memref<1x128x128xf32, #tpu.memory_space<vmem>> -> memref<128x128xf32, #tpu.memory_space<vmem>>
    tpu.wait_dma2 semaphore(%arg8 : memref<!tpu.dma_semaphore, #tpu.memory_space<semaphore_mem>>) src(%dma_wait3A_79 : memref<128x128xf32, #tpu.memory_space<vmem>>) dst(%dma_wait3A_75 : memref<128x128xf32, #tpu.memory_space<hbm>>)
    %dma_wait3A_80 = arith.constant 0 : i32
    %dma_wait3A_81 = arith.constant 0 : i32
    %dma_wait3A_82 = arith.constant 0 : i32
    %dma_wait3A_83 = tpu.memref_slice %arg6[%dma_wait3A_80, %dma_wait3A_81, %dma_wait3A_82] : memref<6x128x128xf32, #tpu.memory_space<vmem>> -> memref<1x128x128xf32, #tpu.memory_space<vmem>>
    %dma_wait3A_84 = tpu.memref_squeeze %dma_wait3A_83 : memref<1x128x128xf32, #tpu.memory_space<vmem>> -> memref<128x128xf32, #tpu.memory_space<vmem>>
    %dma_wait3A_85 = arith.constant 0 : i32
    %dma_wait3A_86 = tpu.memref_slice %arg4[%mul3A_2, %dma_wait3A_85] : memref<819200x128xf32, #tpu.memory_space<hbm>> -> memref<128x128xf32, #tpu.memory_space<hbm>>
    %dma_wait3A_87 = arith.constant 0 : i32
    %dma_wait3A_88 = tpu.memref_slice %arg4[%mul3A_2, %dma_wait3A_87] : memref<819200x128xf32, #tpu.memory_space<hbm>> -> memref<128x128xf32, #tpu.memory_space<hbm>>
    %dma_wait3A_89 = arith.constant 0 : i32
    %dma_wait3A_90 = arith.constant 0 : i32
    %dma_wait3A_91 = tpu.memref_slice %arg6[%dma_wait3A_80, %dma_wait3A_89, %dma_wait3A_90] : memref<6x128x128xf32, #tpu.memory_space<vmem>> -> memref<1x128x128xf32, #tpu.memory_space<vmem>>
    %dma_wait3A_92 = tpu.memref_squeeze %dma_wait3A_91 : memref<1x128x128xf32, #tpu.memory_space<vmem>> -> memref<128x128xf32, #tpu.memory_space<vmem>>
    tpu.wait_dma2 semaphore(%arg8 : memref<!tpu.dma_semaphore, #tpu.memory_space<semaphore_mem>>) src(%dma_wait3A_92 : memref<128x128xf32, #tpu.memory_space<vmem>>) dst(%dma_wait3A_88 : memref<128x128xf32, #tpu.memory_space<hbm>>)
    %dma_wait3A_93 = arith.constant 0 : i32
    %dma_wait3A_94 = arith.constant 0 : i32
    %dma_wait3A_95 = arith.constant 0 : i32
    %dma_wait3A_96 = tpu.memref_slice %arg6[%dma_wait3A_93, %dma_wait3A_94, %dma_wait3A_95] : memref<6x128x128xf32, #tpu.memory_space<vmem>> -> memref<1x128x128xf32, #tpu.memory_space<vmem>>
    %dma_wait3A_97 = tpu.memref_squeeze %dma_wait3A_96 : memref<1x128x128xf32, #tpu.memory_space<vmem>> -> memref<128x128xf32, #tpu.memory_space<vmem>>
    %dma_wait3A_98 = arith.constant 0 : i32
    %dma_wait3A_99 = tpu.memref_slice %arg4[%mul3A_2, %dma_wait3A_98] : memref<819200x128xf32, #tpu.memory_space<hbm>> -> memref<128x128xf32, #tpu.memory_space<hbm>>
    %dma_wait3A_100 = arith.constant 0 : i32
    %dma_wait3A_101 = tpu.memref_slice %arg4[%mul3A_2, %dma_wait3A_100] : memref<819200x128xf32, #tpu.memory_space<hbm>> -> memref<128x128xf32, #tpu.memory_space<hbm>>
    %dma_wait3A_102 = arith.constant 0 : i32
    %dma_wait3A_103 = arith.constant 0 : i32
    %dma_wait3A_104 = tpu.memref_slice %arg6[%dma_wait3A_93, %dma_wait3A_102, %dma_wait3A_103] : memref<6x128x128xf32, #tpu.memory_space<vmem>> -> memref<1x128x128xf32, #tpu.memory_space<vmem>>
    %dma_wait3A_105 = tpu.memref_squeeze %dma_wait3A_104 : memref<1x128x128xf32, #tpu.memory_space<vmem>> -> memref<128x128xf32, #tpu.memory_space<vmem>>
    tpu.wait_dma2 semaphore(%arg8 : memref<!tpu.dma_semaphore, #tpu.memory_space<semaphore_mem>>) src(%dma_wait3A_105 : memref<128x128xf32, #tpu.memory_space<vmem>>) dst(%dma_wait3A_101 : memref<128x128xf32, #tpu.memory_space<hbm>>)
    %dma_wait3A_106 = arith.constant 0 : i32
    %dma_wait3A_107 = arith.constant 0 : i32
    %dma_wait3A_108 = arith.constant 0 : i32
    %dma_wait3A_109 = tpu.memref_slice %arg6[%dma_wait3A_106, %dma_wait3A_107, %dma_wait3A_108] : memref<6x128x128xf32, #tpu.memory_space<vmem>> -> memref<1x128x128xf32, #tpu.memory_space<vmem>>
    %dma_wait3A_110 = tpu.memref_squeeze %dma_wait3A_109 : memref<1x128x128xf32, #tpu.memory_space<vmem>> -> memref<128x128xf32, #tpu.memory_space<vmem>>
    %dma_wait3A_111 = arith.constant 0 : i32
    %dma_wait3A_112 = tpu.memref_slice %arg4[%mul3A_2, %dma_wait3A_111] : memref<819200x128xf32, #tpu.memory_space<hbm>> -> memref<128x128xf32, #tpu.memory_space<hbm>>
    %dma_wait3A_113 = arith.constant 0 : i32
    %dma_wait3A_114 = tpu.memref_slice %arg4[%mul3A_2, %dma_wait3A_113] : memref<819200x128xf32, #tpu.memory_space<hbm>> -> memref<128x128xf32, #tpu.memory_space<hbm>>
    %dma_wait3A_115 = arith.constant 0 : i32
    %dma_wait3A_116 = arith.constant 0 : i32
    %dma_wait3A_117 = tpu.memref_slice %arg6[%dma_wait3A_106, %dma_wait3A_115, %dma_wait3A_116] : memref<6x128x128xf32, #tpu.memory_space<vmem>> -> memref<1x128x128xf32, #tpu.memory_space<vmem>>
    %dma_wait3A_118 = tpu.memref_squeeze %dma_wait3A_117 : memref<1x128x128xf32, #tpu.memory_space<vmem>> -> memref<128x128xf32, #tpu.memory_space<vmem>>
    tpu.wait_dma2 semaphore(%arg8 : memref<!tpu.dma_semaphore, #tpu.memory_space<semaphore_mem>>) src(%dma_wait3A_118 : memref<128x128xf32, #tpu.memory_space<vmem>>) dst(%dma_wait3A_114 : memref<128x128xf32, #tpu.memory_space<hbm>>)
    %dma_wait3A_119 = arith.constant 0 : i32
    %dma_wait3A_120 = arith.constant 0 : i32
    %dma_wait3A_121 = arith.constant 0 : i32
    %dma_wait3A_122 = tpu.memref_slice %arg6[%dma_wait3A_119, %dma_wait3A_120, %dma_wait3A_121] : memref<6x128x128xf32, #tpu.memory_space<vmem>> -> memref<1x128x128xf32, #tpu.memory_space<vmem>>
    %dma_wait3A_123 = tpu.memref_squeeze %dma_wait3A_122 : memref<1x128x128xf32, #tpu.memory_space<vmem>> -> memref<128x128xf32, #tpu.memory_space<vmem>>
    %dma_wait3A_124 = arith.constant 0 : i32
    %dma_wait3A_125 = tpu.memref_slice %arg4[%mul3A_2, %dma_wait3A_124] : memref<819200x128xf32, #tpu.memory_space<hbm>> -> memref<128x128xf32, #tpu.memory_space<hbm>>
    %dma_wait3A_126 = arith.constant 0 : i32
    %dma_wait3A_127 = tpu.memref_slice %arg4[%mul3A_2, %dma_wait3A_126] : memref<819200x128xf32, #tpu.memory_space<hbm>> -> memref<128x128xf32, #tpu.memory_space<hbm>>
    %dma_wait3A_128 = arith.constant 0 : i32
    %dma_wait3A_129 = arith.constant 0 : i32
    %dma_wait3A_130 = tpu.memref_slice %arg6[%dma_wait3A_119, %dma_wait3A_128, %dma_wait3A_129] : memref<6x128x128xf32, #tpu.memory_space<vmem>> -> memref<1x128x128xf32, #tpu.memory_space<vmem>>
    %dma_wait3A_131 = tpu.memref_squeeze %dma_wait3A_130 : memref<1x128x128xf32, #tpu.memory_space<vmem>> -> memref<128x128xf32, #tpu.memory_space<vmem>>
    tpu.wait_dma2 semaphore(%arg8 : memref<!tpu.dma_semaphore, #tpu.memory_space<semaphore_mem>>) src(%dma_wait3A_131 : memref<128x128xf32, #tpu.memory_space<vmem>>) dst(%dma_wait3A_127 : memref<128x128xf32, #tpu.memory_space<hbm>>)
    %dma_wait3A_132 = arith.constant 0 : i32
    %dma_wait3A_133 = arith.constant 0 : i32
    %dma_wait3A_134 = arith.constant 0 : i32
    %dma_wait3A_135 = tpu.memref_slice %arg6[%dma_wait3A_132, %dma_wait3A_133, %dma_wait3A_134] : memref<6x128x128xf32, #tpu.memory_space<vmem>> -> memref<1x128x128xf32, #tpu.memory_space<vmem>>
    %dma_wait3A_136 = tpu.memref_squeeze %dma_wait3A_135 : memref<1x128x128xf32, #tpu.memory_space<vmem>> -> memref<128x128xf32, #tpu.memory_space<vmem>>
    %dma_wait3A_137 = arith.constant 0 : i32
    %dma_wait3A_138 = tpu.memref_slice %arg4[%mul3A_2, %dma_wait3A_137] : memref<819200x128xf32, #tpu.memory_space<hbm>> -> memref<128x128xf32, #tpu.memory_space<hbm>>
    %dma_wait3A_139 = arith.constant 0 : i32
    %dma_wait3A_140 = tpu.memref_slice %arg4[%mul3A_2, %dma_wait3A_139] : memref<819200x128xf32, #tpu.memory_space<hbm>> -> memref<128x128xf32, #tpu.memory_space<hbm>>
    %dma_wait3A_141 = arith.constant 0 : i32
    %dma_wait3A_142 = arith.constant 0 : i32
    %dma_wait3A_143 = tpu.memref_slice %arg6[%dma_wait3A_132, %dma_wait3A_141, %dma_wait3A_142] : memref<6x128x128xf32, #tpu.memory_space<vmem>> -> memref<1x128x128xf32, #tpu.memory_space<vmem>>
    %dma_wait3A_144 = tpu.memref_squeeze %dma_wait3A_143 : memref<1x128x128xf32, #tpu.memory_space<vmem>> -> memref<128x128xf32, #tpu.memory_space<vmem>>
    tpu.wait_dma2 semaphore(%arg8 : memref<!tpu.dma_semaphore, #tpu.memory_space<semaphore_mem>>) src(%dma_wait3A_144 : memref<128x128xf32, #tpu.memory_space<vmem>>) dst(%dma_wait3A_140 : memref<128x128xf32, #tpu.memory_space<hbm>>)
    return
  }
}

module attributes {stable_mosaic.version = 14 : i64} {
  func.func @_ln_table_kernel(%arg0: memref<1000x128xf32, #tpu.memory_space<vmem>>, %arg1: memref<1x128xf32, #tpu.memory_space<vmem>>, %arg2: memref<1x128xf32, #tpu.memory_space<vmem>>, %arg3: memref<1000x128xf32, #tpu.memory_space<vmem>>) attributes {dimension_semantics = [], scalar_prefetch = 0 : i64, scratch_operands = 0 : i64, tpu.core_type = #tpu.core_type<tc>} {
    %get3A = arith.constant 0 : index
    %get3A_0 = arith.constant 0 : index
    %get3A_1 = vector.load %arg0[%get3A, %get3A_0] : memref<1000x128xf32, #tpu.memory_space<vmem>>, vector<1000x128xf32>
    %reduce_sum3A = arith.constant dense<0.000000e+00> : vector<1000xf32>
    %reduce_sum3A_2 = vector.multi_reduction <add>, %get3A_1, %reduce_sum3A [1] : vector<1000x128xf32> to vector<1000xf32>
    %broadcast_in_dim3A = vector.shape_cast %reduce_sum3A_2 : vector<1000xf32> to vector<1000x1xf32>
    %div3A = arith.constant 1.280000e+02 : f32
    %div3A_3 = vector.broadcast %div3A : f32 to vector<1000x1xf32>
    %div3A_4 = arith.divf %broadcast_in_dim3A, %div3A_3 : vector<1000x1xf32>
    %sub3A = vector.broadcast %div3A_4 : vector<1000x1xf32> to vector<1000x128xf32>
    %sub3A_5 = arith.subf %get3A_1, %sub3A : vector<1000x128xf32>
    %mul3A = arith.mulf %sub3A_5, %sub3A_5 : vector<1000x128xf32>
    %reduce_sum3A_6 = arith.constant dense<0.000000e+00> : vector<1000xf32>
    %reduce_sum3A_7 = vector.multi_reduction <add>, %mul3A, %reduce_sum3A_6 [1] : vector<1000x128xf32> to vector<1000xf32>
    %broadcast_in_dim3A_8 = vector.shape_cast %reduce_sum3A_7 : vector<1000xf32> to vector<1000x1xf32>
    %div3A_9 = arith.constant 1.280000e+02 : f32
    %div3A_10 = vector.broadcast %div3A_9 : f32 to vector<1000x1xf32>
    %div3A_11 = arith.divf %broadcast_in_dim3A_8, %div3A_10 : vector<1000x1xf32>
    %add3A = arith.constant 9.99999996E-13 : f32
    %add3A_12 = vector.broadcast %add3A : f32 to vector<1000x1xf32>
    %add3A_13 = arith.addf %div3A_11, %add3A_12 : vector<1000x1xf32>
    %rsqrt3A = math.rsqrt %add3A_13 : vector<1000x1xf32>
    %mul3A_14 = vector.broadcast %rsqrt3A : vector<1000x1xf32> to vector<1000x128xf32>
    %mul3A_15 = arith.mulf %sub3A_5, %mul3A_14 : vector<1000x128xf32>
    %get3A_16 = arith.constant 0 : index
    %get3A_17 = arith.constant 0 : index
    %get3A_18 = vector.load %arg1[%get3A_16, %get3A_17] : memref<1x128xf32, #tpu.memory_space<vmem>>, vector<1x128xf32>
    %mul3A_19 = vector.broadcast %get3A_18 : vector<1x128xf32> to vector<1000x128xf32>
    %mul3A_20 = arith.mulf %mul3A_15, %mul3A_19 : vector<1000x128xf32>
    %get3A_21 = arith.constant 0 : index
    %get3A_22 = arith.constant 0 : index
    %get3A_23 = vector.load %arg2[%get3A_21, %get3A_22] : memref<1x128xf32, #tpu.memory_space<vmem>>, vector<1x128xf32>
    %add3A_24 = vector.broadcast %get3A_23 : vector<1x128xf32> to vector<1000x128xf32>
    %add3A_25 = arith.addf %mul3A_20, %add3A_24 : vector<1000x128xf32>
    %swap3A = arith.constant 0 : index
    %swap3A_26 = arith.constant 0 : index
    %swap3A_27 = vector.load %arg3[%swap3A, %swap3A_26] : memref<1000x128xf32, #tpu.memory_space<vmem>>, vector<1000x128xf32>
    tpu.vector_store %arg3[%swap3A, %swap3A_26], %add3A_25 {strides = array<i32>} : memref<1000x128xf32, #tpu.memory_space<vmem>>, vector<1000x128xf32>,
    return
  }
}

</mosaic_0001>

<sc_bundles>
// kernel: kernel.4.cloned.1.call-start
scs
__scs_entry_jumppad:
0x0: {  	(pc) =	sbr.rel $0x88, $3  }
0x1: {  	(tag) =	ssettag $0x0;
	lr =	simm.s32 $0x1  }
0x2: {  	[smem:$0x3F9D] =	sst lr;
	_ =	strace $0xD0000000  }
0x3: {  	_ = 	snop  }
0x4: {  	_ = 	snop  }
0x5: {  	_ = 	snop  }
0x6: {  	_ = 	snop  }
0x7: {  	_ = 	snop  }
__scs_overlays_trampoline_lowered:
0x8: {  	[smem:$0x3FAC] =	sst s0  }
0x9: {  	[smem:$0x3FAD] =	sst s1  }
0xa: {  	[smem:$0x3FAE] =	sst s2  }
0xb: {  	[smem:$0x3FAF] =	sst s3  }
0xc: {  	[smem:$0x3FB0] =	sst s4  }
0xd: {  	[smem:$0x3FB1] =	sst s5  }
0xe: {  	[smem:$0x3FB2] =	sst s6  }
0xf: {  	[smem:$0x3FB3] =	sst s7  }
0x10: {  	[smem:$0x3FB4] =	sst s8  }
0x11: {  	[smem:$0x3FB5] =	sst s9;
	s0 =	simm.s32 @!p0 $0x0  }
0x12: {  	s1 =	sld [smem:$0x3F9B];
	s0 =	simm.s32 @p0 $0x1  }
0x13: {  	[smem:$0x3FB6] =	sst s0;
	s0 =	simm.s32 @!p1 $0x0  }
0x14: {  	s2 =	sld [smem:$0x3F9A];
	s0 =	simm.s32 @p1 $0x1  }
0x15: {  	[smem:$0x3FB7] =	sst s0;
	s0 =	simm.s32 @!p2 $0x0  }
0x16: {  	s3 =	sld [smem:$0x3FDB];
	s0 =	simm.s32 @p2 $0x1  }
0x17: {  	s4 =	simm.s32 $0x1BF5;
	[smem:$0x3FB9] =	sst s0  }
0x18: {  	s0 =	sld [smem:$0x3F9C];
	_ =	swait.ge [sflag:s4], $0x0  }
0x19: {  	s7 =	sld [smem:$0x3F9D]  }
0x1a: {  	s8 =	sadd.s32 $0xFFFFE003, lr  }
0x1b: {  	s9 =	sadd.s32 $0xFFFFFEF7, lr;
	s5 =	simm.s32 $0xFFFFFFFF;
	p2 =	slt.u32 s8, $0xFFFFF086  }
0x1c: {  	p1 =	slt.u32 s9, $0xF7A;
	s5 =	simm.s32 @!p2 $0x0  }
0x1d: {  	s5 =	simm.s32 @p1 $0x1;
	p0 =	seq.s32 s7, s2  }
0x1e: {  	s7 =	smul.u32 @!p0 $0xF7A, s2;
	p2 =	seq.s32 @!p0 s5, $0x0  }
0x1f: {  	s9 =	smul.u32 $0xF7A, s1;
	s8 =	simm.s32 @!p0 $0x1BF5;
	p2 =	por !p2, p0  }
0x20: {  	[sflag:s8] =	ssyncset.s32 @!p0 $0xFFFFF086;
	s6 =	sadd.s32 @!p0 s3, s7;
	s7 =	simm.s32 @!p0 $0x108  }
0x21: {  	s3 =	sadd.s32 s3, s9;
	s6 =	sadd.s32 @!p0 $0x88, s6;
	s7 =	simm.s32 @p2 $0x1082  }
0x22: {  	[simem:s7], [sflag:s8] =	dma.local @!p0 [hbm:s6], $0xF7A  }
0x23: {  	s9 =	sor.u32 $0xD0000000, s2;
	s6 =	simm.s32 $0x108;
	_ =	swait.ge @!p0 [sflag:s8], $0x0  }
0x24: {  	s3 =	sadd.s32 $0x88, s3;
	s6 =	simm.s32 @!p1 $0x1082;
	[sflag:s4] =	ssyncset.s32 $0xFFFFF086  }
0x25: {  	[simem:s6], [sflag:s4] =	dma.local [hbm:s3], $0xF7A  }
0x26: {  	[smem:$0x3F9D] =	sst s1;
	(tag) =	ssettag s2;
	_ =	strace s9  }
0x27: {  	s1 =	sld [smem:$0x3FAD]  }
0x28: {  	s2 =	sld [smem:$0x3FAE]  }
0x29: {  	s4 =	sld [smem:$0x3FB0]  }
0x2a: {  	p0 =	seq.s32 s5, $0x0;
	s5 =	sld [smem:$0x3FB1]  }
0x2b: {  	s6 =	sld [smem:$0x3FB2]  }
0x2c: {  	s7 =	sld [smem:$0x3FB3]  }
0x2d: {  	s3 =	simm.s32 $0x108;
	s8 =	sld [smem:$0x3FB4]  }
0x2e: {  	s3 =	simm.s32 @!p0 $0x1082;
	s9 =	sld [smem:$0x3FB5]  }
0x2f: {  	lr =	sadd.s32 s0, s3;
	s0 =	sld [smem:$0x3FAC]  }
0x30: {  	s3 =	sld [smem:$0x3FAF]  }
0x31: {  	[smem:$0x3FB8] =	sst s10  }
0x32: {  	s10 =	sld [smem:$0x3FB6];
	_ =	sdelay $0x3  }
0x33: {  	p0 =	seq.s32 s10, $0x1;
	s10 =	sld [smem:$0x3FB8];
	_ =	sdelay $0x3  }
0x34: {  	[smem:$0x3FB8] =	sst s10  }
0x35: {  	s10 =	sld [smem:$0x3FB7];
	_ =	sdelay $0x3  }
0x36: {  	p1 =	seq.s32 s10, $0x1;
	s10 =	sld [smem:$0x3FB8];
	_ =	sdelay $0x3  }
0x37: {  	[smem:$0x3FB8] =	sst s10  }
0x38: {  	s10 =	sld [smem:$0x3FB9]  }
0x39: {  	_ = 	snop;
	(pc) =	sbr.ind lr, $3  }
0x3a: {  	_ = 	snop  }
0x3b: {  	_ = 	snop  }
0x3c: {  	p2 =	seq.s32 s10, $0x1;
	s10 =	sld [smem:$0x3FB8]  }
0x3d: {  	_ =	shalt  }
0x3e: {  	_ =	shalt  }
0x3f: {  	_ =	shalt  }
0x40: {  	_ =	shalt  }
0x41: {  	_ =	shalt  }
0x42: {  	_ =	shalt  }
0x43: {  	_ =	shalt  }
0x44: {  	_ =	shalt  }
0x45: {  	_ =	shalt  }
0x46: {  	_ =	shalt  }
0x47: {  	_ =	shalt  }
0x48: {  	_ =	shalt  }
0x49: {  	_ =	shalt  }
0x4a: {  	_ =	shalt  }
0x4b: {  	_ =	shalt  }
0x4c: {  	_ =	shalt  }
0x4d: {  	_ =	shalt  }
0x4e: {  	_ =	shalt  }
0x4f: {  	_ =	shalt  }
0x50: {  	_ =	shalt  }
0x51: {  	_ =	shalt  }
0x52: {  	_ =	shalt  }
0x53: {  	_ =	shalt  }
0x54: {  	_ =	shalt  }
0x55: {  	_ =	shalt  }
0x56: {  	_ =	shalt  }
0x57: {  	_ =	shalt  }
0x58: {  	_ =	shalt  }
0x59: {  	_ =	shalt  }
0x5a: {  	_ =	shalt  }
0x5b: {  	_ =	shalt  }
0x5c: {  	_ =	shalt  }
0x5d: {  	_ =	shalt  }
0x5e: {  	_ =	shalt  }
0x5f: {  	_ =	shalt  }
0x60: {  	_ =	shalt  }
0x61: {  	_ =	shalt  }
0x62: {  	_ =	shalt  }
0x63: {  	_ =	shalt  }
0x64: {  	_ =	shalt  }
0x65: {  	_ =	shalt  }
0x66: {  	_ =	shalt  }
0x67: {  	_ =	shalt  }
0x68: {  	_ =	shalt  }
0x69: {  	_ =	shalt  }
0x6a: {  	_ =	shalt  }
0x6b: {  	_ =	shalt  }
0x6c: {  	_ =	shalt  }
0x6d: {  	_ =	shalt  }
0x6e: {  	_ =	shalt  }
0x6f: {  	_ =	shalt  }
0x70: {  	_ =	shalt  }
0x71: {  	_ =	shalt  }
0x72: {  	_ =	shalt  }
0x73: {  	_ =	shalt  }
0x74: {  	_ =	shalt  }
0x75: {  	_ =	shalt  }
0x76: {  	_ =	shalt  }
0x77: {  	_ =	shalt  }
0x78: {  	_ =	shalt  }
0x79: {  	_ =	shalt  }
0x7a: {  	_ =	shalt  }
0x7b: {  	_ =	shalt  }
0x7c: {  	_ =	shalt  }
0x7d: {  	_ =	shalt  }
0x7e: {  	_ =	shalt  }
0x7f: {  	_ =	shalt  }
0x80: {  	_ =	shalt  }
0x81: {  	_ =	shalt  }
0x82: {  	_ =	shalt  }
0x83: {  	_ =	shalt  }
0x84: {  	_ =	shalt  }
0x85: {  	_ =	shalt  }
0x86: {  	_ =	shalt  }
0x87: {  	_ =	shalt  }
.Lfunc_end0:
.L_simem_size_0:
called_computation_lowered:
.L_overlay_start_0:
0x88: {  	s2 =	sld [smem:$0x3FD9]  }
0x89: {  	s3 =	sld [smem:$0x3FFE];
	_ =	sdelay $0x1  }
0x8a: {  	s1 =	srdreg.scid  }
0x8b: {  	s0 =	sand.u32 $0x1, s1  }
0x8c: {  	s17 =	sshll.u32 s0, $0xA;
	s2 =	sadd.s32 s3, s2  }
0x8d: {  	s2 =	sadd.s32 s2, s17  }
0x8e: {  	[smem:$0x3FC4] =	sst s2  }
0x8f: {  	_ = 	snop  }
0x90: {  	s2 =	sld [smem:$0x3FD0];
	(tm) =	ssettm $0x1  }
0x91: {  	s18 =	sld [smem:$0x3FFB];
	_ =	sdelay $0x3  }
0x92: {  	_ =	strace s18  }
0x93: {  	s3 =	sld [smem:$0x3FFC];
	_ =	sdelay $0x3  }
0x94: {  	_ =	strace s3  }
0x95: {  	s3 =	sld [smem:$0x3FFD];
	_ =	sdelay $0x3  }
0x96: {  	_ =	strace s3  }
0x97: {  	_ =	strace $0x8FFFFFFF  }
0x98: {  	s19 =	sld [smem:$0x3FDB];
	_ =	sdelay $0x1  }
0x99: {  	s4 =	simm.s32 $_scs_section_size  }
0x9a: {  	s5 =	simm.s32 $_size__tile_overlayer_lowered;
	s6 =	simm.s32 $_tile_overlayer_lowered  }
0x9b: {  	s22 =	simm.s32 $0x1BFF;
	s21 =	sshll.u32 s6, $0x1;
	s3 =	sadd.s32 s4, s19  }
0x9c: {  	s7 =	simm.s32 $0x0;
	s20 =	sshll.u32 s5, $0x1;
	s5 =	sadd.s32 s21, s3  }
0x9d: {  	[timem:s7], [sflag:s22] =	dma.local [hbm:s5], s20  }
0x9e: {  	_ =	swait.ge [sflag:s22], s20  }
0x9f: {  	s4 =	ssub.s32 $0x0, s20;
	[sflag:s22] =	ssyncset.done $0x0  }
0xa0: {  	[sflag:s22] =	ssyncadd.s32 s4;
	_ =	sdelay $0x1  }
0xa1: {  	s23 =	simm.s32 $0x1B8B  }
0xa2: {  	_ =	swait.ge [sflag:s23], $0x1  }
0xa3: {  	[sflag:s23] =	ssyncset.done $0x0  }
0xa4: {  	s25 =	simm.s32 $0x1B8E;
	s24 =	sld [smem:$0x3FFE];
	[sflag:s23] =	ssyncadd.s32 $0xFFFFFFFF  }
0xa5: {  	s26 =	simm.s32 $execute0_lowered;
	[smem:$0x3FD2] =	sst s25  }
0xa6: {  	s5 =	sshll.u32 s26, $0x1;
	_ =	strace $0x80000046;
	[dreg:$0x1] =	wrdreg $0xFFFFFFFF  }
0xa7: {  	s28 =	simm.s32 $_size_execute0_lowered;
	s3 =	sadd.s32 s3, s5;
	[dreg:$0x0] =	wrdreg $0x0  }
0xa8: {  	s5 =	sshll.u32 s28, $0x1;
	[dreg:$0x2] =	wrdreg s3  }
0xa9: {  	[dreg:$0x3] =	wrdreg s5  }
0xaa: {  	[dreg:$0x4] =	wrdreg $0xC0  }
0xab: {  	_ =	task [dreg:s7], $0x5FFFF  }
0xac: {  	[dreg:$0x1] =	wrdreg $0xFFFFFFFF  }
0xad: {  	[dreg:$0x0] =	wrdreg $0x60  }
0xae: {  	[dreg:$0x2] =	wrdreg s24  }
0xaf: {  	[dreg:$0x3] =	wrdreg s2  }
0xb0: {  	[dreg:$0x4] =	wrdreg $0x9  }
0xb1: {  	_ =	task.clear_ibuf [dreg:s7], $0x5FFFF;
	_ =	strace $0x90000046  }
0xb2: {  	s29 =	simm.s32 $0x9;
	_ =	strace $0x80000048  }
0xb3: {  	_ =	swait.ge [sflag:s29], $0x1  }
0xb4: {  	[sflag:s29] =	ssyncadd.s32 $0xFFFFFFFF  }
0xb5: {  	_ =	strace $0x90000048  }
0xb6: {  	_ =	sfence  }
0xb7: {  	s30 =	sld [smem:$0x0];
	_ =	sdelay $0x2  }
0xb8: {  	s31 =	sshll.u32 s1, $0xD;
	s1 =	sshrl.u32 s1, $0x2  }
0xb9: {  	s3 =	sand.u32 $0x4000, s31;
	s1 =	sadd.s32 s1, s30  }
0xba: {  	s0 =	sor.u32 s3, s0;
	s1 =	sshll.u32 s1, $0x11  }
0xbb: {  	s0 =	sor.u32 s1, s0  }
0xbc: {  	s0 =	sadd.s32 $0x8F2B, s0  }
0xbd: {  	[sflag:s0] =	ssyncadd.remote.s32 $0x1  }
0xbe: {  	_ =	sfence.sel $0xFFFF  }
0xbf: {  	[dreg:$0x0] =	wrdreg $0xFFFFFFFF;
	(pc) =	sbr.abs _section_cstart, $3  }
0xc0: {  	[dreg:$0x1] =	wrdreg $0xFFFFFFFF  }
0xc1: {  	_ =	task.clear_ibuf [dreg:s7], $0x2FFFF;
	_ =	strace $0x9FFFFFFF  }
0xc2: {  	(tm) =	ssettm $0x7FFFFFFF  }
0xc3: {  	_ =	shalt  }
tec
execute0_lowered:
.L_overlay_start_1:
0x0: {  	(tag) =	ssettag $0x1  }
0x1: {  	s1 =	srdreg.scid;
	s4 =	rddreg [dreg:$0x0]  }
0x2: {  	s0 =	stileid.u32;
	s6 =	rddreg [dreg:$0x1]  }
0x3: {  	s2 =	simm.s32 $0x0;
	s10 =	simm.s32 $0xA400;
	s11 =	simm.s32 $0x100  }
0x4: {  	s12 =	simm.s32 $0xE400;
	s13 =	simm.s32 $0x180;
	s14 =	simm.s32 $0x12400  }
0x5: {  	s15 =	simm.s32 $0x200;
	s16 =	simm.s32 $0x16400;
	s17 =	simm.s32 $0x1  }
0x6: {  	s18 =	simm.s32 $0x2;
	s19 =	simm.s32 $0x0;
	s3 =	sand.u32 $0x1, s1  }
0x7: {  	s29 =	sshll.u32 s0, $0x1;
	s7 =	smul.u32 $0x640000, s0;
	[smem:$0x7FF] =	sst s2  }
0x8: {  	s1 =	sor.u32 s3, s29;
	s8 =	smul.u32 $0x320000, s3;
	s9 =	ssub.s32 $0x2, s3  }
0x9: {  	s3 =	sadd.s32 $0x19C00, s4;
	s5 =	smul.u32 $0xC80, s1;
	s1 =	rddreg [dreg:$0x2]  }
0xa: {  	_ =	strace $0x80000047;
	s30 =	sshrl.u32 s9, $0x1;
	s7 =	sadd.s32 s8, s7  }
0xb: {  	s31 =	ssub.s32 s9, s30;
	s8 =	simm.s32 $0x80;
	s5 =	sadd.s32 s5, s4  }
0xc: {  	s9 =	simm.s32 $0x6400;
	s7 =	sshrl.u32 s7, $0x3;
	s4 =	sadd.s32 $0xC00, s5  }
0xd: {  	s5 =	smax.u32 s31, $0x1;
	s6 =	sadd.s32 s7, s6;
	s7 =	simm.s32 $0x3  }
.LBB2_1:
0xe: {  	[tilespmem:s2], [sflag:$0x3] =	stream.linear.gather [hbm4b:s4+s2], $0x6400, $0x38;
	[tilespmem:$0x1E400] =	vst v63  }
0xf: {  	s20 =	simm.s32 $0x5;
	p0 =	por $0x0, $0x0  }
0x10: {  	s21 =	simm.s32 $0x280;
	s22 =	smul.u32 $0xAB, s2;
	_ =	swait.ge [sflag:s7], $0x6400  }
0x11: {  	s20 =	smul.u32 @!p0 $0xAB, s20;
	p1 =	por @!p0 $0x1, $0x1;
	[sflag:s7] =	ssyncset.done $0x0  }
0x12: {  	s26 =	simm.s32 @!p0 $0x80;
	s22 =	sshrl.u32 s22, $0xA;
	[sflag:s7] =	ssyncadd.s32 $0xFFFF9C00  }
0x13: {  	[tilespmem:s9], [sflag:$0x1] =	stream.indirect.gather [hbm4b:s3+s8], $0x80, s2, s8, $0xb8;
	[tilespmem:$0x1E400] =	vst v63  }
0x14: {  	p1 =	por p1, p0;
	s20 =	sshrl.u32 @!p0 s20, $0xA;
	s22 =	sand.u32 $0x3F, s22  }
0x15: {  	[tilespmem:s10], [sflag:$0x1] =	stream.indirect.gather [hbm4b:s3+s8], $0x80, s8, s8, $0xb8;
	[tilespmem:$0x1E400] =	vst v63  }
0x16: {  	s25 =	simm.s32 @!p1 $0x2;
	s23 =	sand.u32 @!p0 $0x3F, s20;
	s22 =	smul.u32 $0x6, s22  }
0x17: {  	[tilespmem:s12], [sflag:$0x1] =	stream.indirect.gather [hbm4b:s3+s8], $0x80, s11, s8, $0xb8;
	[tilespmem:$0x1E400] =	vst v63  }
0x18: {  	s20 =	simm.s32 $0x1;
	s24 =	smul.u32 @!p0 $0x6, s23;
	s22 =	ssub.s32 $0x0, s22  }
0x19: {  	[tilespmem:s14], [sflag:$0x1] =	stream.indirect.gather [hbm4b:s3+s8], $0x80, s13, s8, $0xb8;
	[tilespmem:$0x1E400] =	vst v63  }
0x1a: {  	s23 =	simm.s32 $0x2;
	s24 =	ssub.s32 @!p0 $0x5, s24;
	s30 =	sand.u32 $0xFF, s22  }
0x1b: {  	[tilespmem:s16], [sflag:$0x1] =	stream.indirect.gather [hbm4b:s3+s8], $0x80, s15, s8, $0xb8;
	[tilespmem:$0x1E400] =	vst v63  }
0x1c: {  	s22 =	simm.s32 $0x300;
	s24 =	sand.u32 @!p0 $0xFF, s24;
	_ =	swait.ge @!p1 [sflag:s25], $0x4000  }
0x1d: {  	s31 =	sshll.u32 s30, $0xE;
	s24 =	sshll.u32 @!p0 s24, $0xE;
	[sflag:s25] =	ssyncset.done @!p1 $0x0  }
0x1e: {  	s24 =	sadd.s32 @!p0 $0x6400, s24;
	[sflag:s25] =	ssyncadd.s32 @!p1 $0xFFFFC000;
	s25 =	simm.s32 $0x6  }
0x1f: {  	[tilespmem:s24], [sflag:$0x1] =	stream.indirect.gather @!p0 [hbm4b:s3+s26], $0x80, s21, s26, $0xb8;
	[tilespmem:$0x1E400] =	vst v63  }
0x20: {  	s21 =	sadd.s32 $0x800, s6;
	p0 =	por $0x0, $0x0;
	_ =	swait.ge [sflag:s17], $0x4000  }
0x21: {  	s26 =	sadd.s32 $0x6400, s31;
	s24 =	smov.u32 s6;
	[sflag:s17] =	ssyncset.done $0x0  }
.LBB2_2:
0x22: {  	s28 =	smul.u32 @!p0 $0xAB, s25;
	[sflag:s17] =	ssyncadd.s32 $0xFFFFC000  }
0x23: {  	s29 =	smov.u32 s20;
	s20 =	smov.u32 s23;
	s23 =	sadd.s32 $0x1, s23  }
0x24: {  	[hbm4b:s24+s2] =	stream.linear.scatter [tilespmem:s26], [sflag:$0x2], $0x4000, $0x38;
	[tilespmem:$0x1E400] =	vst v63  }
0x25: {  	p1 =	sne.s32 s23, $0xC8  }
0x26: {  	s24 =	smov.u32 s21;
	s26 =	sshrl.u32 @!p0 s28, $0xA;
	s28 =	smul.u32 $0xAB, s29  }
0x27: {  	s26 =	sand.u32 @!p0 $0x3F, s26  }
0x28: {  	p2 =	seq.s32 @!p0 s29, $0x0;
	s26 =	smul.u32 @!p0 $0x6, s26;
	s28 =	sshrl.u32 s28, $0xA  }
0x29: {  	p2 =	por p2, p0;
	s28 =	sand.u32 $0x3F, s28  }
0x2a: {  	s30 =	simm.s32 @!p2 $0x2;
	s25 =	ssub.s32 @!p0 s25, s26;
	s26 =	smul.u32 $0x6, s28  }
0x2b: {  	s28 =	simm.s32 @!p0 $0x80;
	_ =	swait.ge @!p2 [sflag:s30], $0x4000;
	s25 =	sand.u32 @!p0 $0xFF, s25  }
0x2c: {  	[sflag:s30] =	ssyncset.done @!p2 $0x0;
	s25 =	sshll.u32 @!p0 s25, $0xE;
	s26 =	ssub.s32 s29, s26  }
.Ltmp0:
0x2d: {  	[sflag:s30] =	ssyncadd.s32 @!p2 $0xFFFFC000;
	s25 =	sadd.s32 @!p0 $0x6400, s25;
	(pc) =	sbr.rel @p1 .LBB2_2-.Ltmp0, $4  }
0x2e: {  	[tilespmem:s25], [sflag:$0x1] =	stream.indirect.gather @!p0 [hbm4b:s3+s28], $0x80, s22, s28, $0xb8;
	[tilespmem:$0x1E400] =	vst v63  }
0x2f: {  	s25 =	sand.u32 $0xFF, s26;
	s22 =	sadd.s32 $0x80, s22;
	_ =	swait.ge [sflag:s17], $0x4000  }
0x30: {  	s21 =	sadd.s32 $0x800, s21;
	s26 =	sshll.u32 s25, $0xE;
	[sflag:s17] =	ssyncset.done $0x0  }
0x31: {  	p0 =	sgt.u32 s20, $0xC2;
	s25 =	sadd.s32 $0x5, s20;
	s26 =	sadd.s32 $0x6400, s26  }
0x32: {  	s23 =	smul.u32 @!p0 $0xAB, s25;
	[sflag:s17] =	ssyncadd.s32 $0xFFFFC000  }
0x33: {  	[hbm4b:s24+s2] =	stream.linear.scatter [tilespmem:s26], [sflag:$0x2], $0x4000, $0x38;
	[tilespmem:$0x1E400] =	vst v63  }
0x34: {  	s23 =	sshrl.u32 @!p0 s23, $0xA  }
0x35: {  	s30 =	smul.u32 $0xAB, s20;
	p1 =	seq.s32 @!p0 s20, $0x0;
	s23 =	sand.u32 @!p0 $0x3F, s23  }
0x36: {  	p1 =	por p1, p0;
	s23 =	smul.u32 @!p0 $0x6, s23  }
0x37: {  	s24 =	sshrl.u32 s30, $0xA;
	s26 =	simm.s32 @!p1 $0x2  }
0x38: {  	s24 =	sand.u32 $0x3F, s24;
	_ =	swait.ge @!p1 [sflag:s26], $0x4000;
	s23 =	ssub.s32 @!p0 s25, s23  }
0x39: {  	s24 =	smul.u32 $0x6, s24;
	[sflag:s26] =	ssyncset.done @!p1 $0x0;
	s23 =	sand.u32 @!p0 $0xFF, s23  }
0x3a: {  	[sflag:s26] =	ssyncadd.s32 @!p1 $0xFFFFC000;
	s23 =	sshll.u32 @!p0 s23, $0xE  }
0x3b: {  	s25 =	simm.s32 @!p0 $0x80;
	s31 =	ssub.s32 s20, s24;
	s23 =	sadd.s32 @!p0 $0x6400, s23  }
0x3c: {  	[tilespmem:s23], [sflag:$0x1] =	stream.indirect.gather @!p0 [hbm4b:s3+s25], $0x80, s22, s25, $0xb8;
	[tilespmem:$0x1E400] =	vst v63  }
0x3d: {  	s20 =	sand.u32 $0xFF, s31;
	_ =	swait.ge [sflag:s17], $0x4000  }
0x3e: {  	s20 =	sshll.u32 s20, $0xE;
	[sflag:s17] =	ssyncset.done $0x0  }
0x3f: {  	s20 =	sadd.s32 $0x6400, s20;
	[sflag:s17] =	ssyncadd.s32 $0xFFFFC000  }
0x40: {  	[hbm4b:s21+s2] =	stream.linear.scatter [tilespmem:s20], [sflag:$0x2], $0x4000, $0x38;
	[tilespmem:$0x1E400] =	vst v63  }
0x41: {  	_ =	swait.ge [sflag:s18], $0x4000  }
0x42: {  	[sflag:s18] =	ssyncset.done $0x0  }
0x43: {  	[sflag:s18] =	ssyncadd.s32 $0xFFFFC000  }
0x44: {  	_ =	swait.ge [sflag:s18], $0x4000  }
0x45: {  	[sflag:s18] =	ssyncset.done $0x0  }
0x46: {  	[sflag:s18] =	ssyncadd.s32 $0xFFFFC000  }
0x47: {  	_ =	swait.ge [sflag:s18], $0x4000  }
0x48: {  	[sflag:s18] =	ssyncset.done $0x0  }
0x49: {  	[sflag:s18] =	ssyncadd.s32 $0xFFFFC000  }
0x4a: {  	_ =	swait.ge [sflag:s18], $0x4000  }
0x4b: {  	[sflag:s18] =	ssyncset.done $0x0  }
0x4c: {  	s19 =	sadd.s32 $0x1, s19;
	[sflag:s18] =	ssyncadd.s32 $0xFFFFC000  }
0x4d: {  	p0 =	sne.s32 s19, s5;
	_ =	swait.ge [sflag:s18], $0x4000  }
.Ltmp1:
0x4e: {  	[sflag:s18] =	ssyncset.done $0x0;
	(pc) =	sbr.rel @p0 .LBB2_1-.Ltmp1, $4  }
0x4f: {  	[sflag:s18] =	ssyncadd.s32 $0xFFFFC000  }
0x50: {  	_ =	swait.ge [sflag:s18], $0x4000  }
0x51: {  	[sflag:s18] =	ssyncset.done $0x0  }
0x52: {  	[sflag:s18] =	ssyncadd.s32 $0xFFFFC000  }
0x53: {  	_ =	sfence.sel $0x180000  }
0x54: {  	[bflag:$0x0] =	sbarrier.arrive $0xFFFF  }
0x55: {  	p0 =	sne.s32 s0, $0x0;
	_ =	strace $0x90000047  }
0x56: {  	s0 =	sadd.s32 @!p0 $0x100000, s1;
	[bflag:$0x2] =	sbarrier.arrive $0xFFFF  }
0x57: {  	[sflag:s0] =	ssyncadd.tile.s32 @!p0 $0x1;
	_ =	shalt  }
.Lfunc_end2:
_tile_overlayer_lowered:
.L_overlay_start_2:
0x58: {  	(tag) =	ssettag $0x2  }
0x59: {  	s0 =	rddreg [dreg:$0x0];
	s2 =	stileid.u32  }
0x5a: {  	s1 =	rddreg [dreg:$0x1];
	p0 =	sne.s32 s2, $0x0  }
0x5b: {  	s3 =	rddreg [dreg:$0x2];
	[bflag:$0x3] =	sbarrier.arrive $0xFFFF;
	s2 =	simm.s32 @!p0 $0x1C03  }
0x5c: {  	[timem:s3], [sflag:s2] =	dma.local @!p0 [hbm:s0], s1  }
0x5d: {  	s0 =	simm.s32 @!p0 $0x3  }
0x5e: {  	_ =	swait.ge @!p0 [sflag:s0], s1  }
0x5f: {  	s1 =	ssub.s32 @!p0 $0x0, s1;
	[sflag:s0] =	ssyncset.done @!p0 $0x0  }
0x60: {  	[sflag:s0] =	ssyncadd.s32 @!p0 s1  }
0x61: {  	[bflag:$0x3] =	sbarrier.arrive $0xFFFF  }
0x62: {  	_ =	shalt  }

</sc_bundles>
